<compile_context>
chip_gen: v7x
topology: tpu7x:2x2x1
jax: 0.10.2.dev20260603
libtpu: 0.0.44.dev20260713+nightly
codegen_flags: <defaults>
</compile_context>

<pallas_src>
import jax
import jax.numpy as jnp
from jax import lax
from jax.experimental import pallas as pl
from jax.experimental.pallas import tpu as pltpu
from jax.experimental.pallas import tpu_sc as plsc

B = 16
T = 4096
D = 1024
LANES = 16


def _body(mask_hbm, x_hbm, out_hbm, mrow, row):
    c = lax.axis_index("c")
    s = lax.axis_index("s")
    wid = s * 2 + c

    @pl.when(wid < B)
    def _():
        pltpu.sync_copy(mask_hbm.at[pl.ds(wid * T, T)], mrow)

        def step(i, acc):
            return acc + mrow[pl.ds(i * LANES, LANES)]

        acc = lax.fori_loop(
            0, T // LANES, step, jnp.zeros((LANES,), jnp.int32), unroll=8
        )
        cnt = plsc.cumsum(acc)[LANES - 1]
        idx = jnp.where(cnt > 0, cnt - 1, T - 1)
        pltpu.sync_copy(x_hbm.at[pl.ds(wid * T + idx, 1)], row)
        pltpu.sync_copy(row, out_hbm.at[pl.ds(wid, 1)])


@jax.jit
def _last_timestamp(x2d, mask1d):
    return pl.kernel(
        _body,
        out_type=jax.ShapeDtypeStruct((B, D), jnp.float32),
        mesh=plsc.VectorSubcoreMesh(core_axis_name="c", subcore_axis_name="s"),
        compiler_params=pltpu.CompilerParams(needs_layout_passes=False),
        scratch_types=[
            pltpu.VMEM((T,), jnp.int32),
            pltpu.VMEM((1, D), jnp.float32),
        ],
    )(mask1d, x2d)


def kernel(x, mask):
    x2d = x.reshape(B * T, D)
    mask1d = mask.astype(jnp.int32).reshape(B * T)
    return _last_timestamp(x2d, mask1d)

# --- scband reference (transcript-rebuilt; emitter-appended) ---
"""Pipeline reference for scband-last-timestamp-13125420056688 (READ-ONLY COPY).

The authoritative reference and input builder live on the scoring server;
editing this copy changes nothing except your own understanding.
"""

import jax, jax.numpy as jnp
import numpy as np


def setup_inputs(seed: int = 0) -> dict:
    key = jax.random.key(seed)
    k1, k2 = jax.random.split(key)
    x = jax.random.normal(k1, (16, 4096, 1024), dtype=jnp.float32)
    mask = jax.random.randint(k2, (16, 4096), 0, 2).astype(jnp.bool_)
    return {"x": x, "mask": mask}


def reference(x, mask):
    # last valid timestamp index per row: (mask.sum(dim=1) - 1)
    last_timestamp_index = (jnp.sum(mask.astype(jnp.int32), axis=1) - 1).astype(jnp.int64)
    batch_indices = jnp.arange(x.shape[0])
    out = x[batch_indices, last_timestamp_index]
    return out

if __name__ == "__main__":
    import jax
    _d = setup_inputs()
    print(jax.jit(kernel)(*tuple(_d.values())))

</pallas_src>

<mosaic_0001>
#map = affine_map<(d0, d1) -> (0)>
#map1 = affine_map<(d0, d1) -> (0, 0)>
module attributes {stable_mosaic.version = 14 : i64} {
  func.func @_body(%arg0: i32, %arg1: i32, %arg2: memref<65536xi32, #tpu.memory_space<hbm>>, %arg3: memref<65536x1024xf32, #tpu.memory_space<hbm>>, %arg4: memref<16x1024xf32, #tpu.memory_space<hbm>>, %arg5: memref<4096xi32, #tpu.memory_space<vmem>>, %arg6: memref<1x1024xf32, #tpu.memory_space<vmem>>) attributes {dimension_semantics = [#tpu.dimension_semantics<core_parallel>, #tpu.dimension_semantics<subcore_parallel>], iteration_bounds = array<i64: 2, 16>, scalar_prefetch = 0 : i64, scratch_operands = 2 : i64, tpu.core_type = #tpu.core_type<sc_vector_subcore>, window_params = [{transform_indices = #map}, {transform_indices = #map1}, {transform_indices = #map1}]} {
    %mul3A = arith.constant 2 : i32
    %mul3A_0 = arith.muli %arg1, %mul3A : i32
    %add3A = arith.addi %mul3A_0, %arg0 : i32
    %lt3A = arith.constant 16 : i32
    %lt3A_1 = arith.cmpi slt, %add3A, %lt3A : i32
    %convert_element_type3A = arith.extui %lt3A_1 : i1 to i32
    %cond3A = arith.constant 0 : i32
    %cond3A_2 = arith.cmpi ne, %convert_element_type3A, %cond3A : i32
    scf.if %cond3A_2 {
      %mul3A_3 = arith.constant 4096 : i32
      %mul3A_4 = arith.muli %add3A, %mul3A_3 : i32
      "tpu.region"() ({
        %run_scoped3A = tpu.sem_alloc : memref<!tpu.dma_semaphore, #tpu.memory_space<semaphore_mem>>
        %dma_start3A = tpu.memref_slice %arg2[%mul3A_4] : memref<65536xi32, #tpu.memory_space<hbm>> -> memref<4096xi32, #tpu.memory_space<hbm>>
        %dma_start3A_18 = tpu.memref_slice %arg2[%mul3A_4] : memref<65536xi32, #tpu.memory_space<hbm>> -> memref<4096xi32, #tpu.memory_space<hbm>>
        tpu.enqueue_dma source(%dma_start3A_18 : memref<4096xi32, #tpu.memory_space<hbm>>) target(%arg5 : memref<4096xi32, #tpu.memory_space<vmem>>) target_semaphore(%run_scoped3A : memref<!tpu.dma_semaphore, #tpu.memory_space<semaphore_mem>>)
        %dma_wait3A = tpu.memref_slice %arg2[%mul3A_4] : memref<65536xi32, #tpu.memory_space<hbm>> -> memref<4096xi32, #tpu.memory_space<hbm>>
        %dma_wait3A_19 = tpu.memref_slice %arg2[%mul3A_4] : memref<65536xi32, #tpu.memory_space<hbm>> -> memref<4096xi32, #tpu.memory_space<hbm>>
        tpu.wait_dma2 semaphore(%run_scoped3A : memref<!tpu.dma_semaphore, #tpu.memory_space<semaphore_mem>>) src(%dma_wait3A_19 : memref<4096xi32, #tpu.memory_space<hbm>>) dst(%arg5 : memref<4096xi32, #tpu.memory_space<vmem>>)
        tpu.yield
      }) : () -> ()
      %broadcast_in_dim3A = arith.constant 0 : i32
      %broadcast_in_dim3A_5 = vector.broadcast %broadcast_in_dim3A : i32 to vector<16xi32>
      %scan3A = arith.constant 0 : i32
      %scan3A_6 = arith.constant 256 : i32
      %scan3A_7 = arith.addi %scan3A, %scan3A_6 : i32
      %scan3A_8 = arith.constant 8 : i32
      %scan3A_9 = scf.for %scan3A_18 = %scan3A to %scan3A_7 step %scan3A_8 iter_args(%scan3A_19 = %broadcast_in_dim3A_5) -> (vector<16xi32>)  : i32 {
        %mul3A_20 = arith.constant 16 : i32
        %mul3A_21 = arith.muli %scan3A_18, %mul3A_20 : i32
        %get3A = arith.index_cast %mul3A_21 : i32 to index
        %get3A_22 = tpu.vector_load %arg5[%get3A] {strides = array<i32>} : memref<4096xi32, #tpu.memory_space<vmem>>, vector<16xi32>,
        %add3A_23 = arith.addi %scan3A_19, %get3A_22 : vector<16xi32>
        %scan3A_24 = arith.constant 1 : i32
        %scan3A_25 = arith.addi %scan3A_18, %scan3A_24 : i32
        %mul3A_26 = arith.constant 16 : i32
        %mul3A_27 = arith.muli %scan3A_25, %mul3A_26 : i32
        %get3A_28 = arith.index_cast %mul3A_27 : i32 to index
        %get3A_29 = tpu.vector_load %arg5[%get3A_28] {strides = array<i32>} : memref<4096xi32, #tpu.memory_space<vmem>>, vector<16xi32>,
        %add3A_30 = arith.addi %add3A_23, %get3A_29 : vector<16xi32>
        %scan3A_31 = arith.constant 2 : i32
        %scan3A_32 = arith.addi %scan3A_18, %scan3A_31 : i32
        %mul3A_33 = arith.constant 16 : i32
        %mul3A_34 = arith.muli %scan3A_32, %mul3A_33 : i32
        %get3A_35 = arith.index_cast %mul3A_34 : i32 to index
        %get3A_36 = tpu.vector_load %arg5[%get3A_35] {strides = array<i32>} : memref<4096xi32, #tpu.memory_space<vmem>>, vector<16xi32>,
        %add3A_37 = arith.addi %add3A_30, %get3A_36 : vector<16xi32>
        %scan3A_38 = arith.constant 3 : i32
        %scan3A_39 = arith.addi %scan3A_18, %scan3A_38 : i32
        %mul3A_40 = arith.constant 16 : i32
        %mul3A_41 = arith.muli %scan3A_39, %mul3A_40 : i32
        %get3A_42 = arith.index_cast %mul3A_41 : i32 to index
        %get3A_43 = tpu.vector_load %arg5[%get3A_42] {strides = array<i32>} : memref<4096xi32, #tpu.memory_space<vmem>>, vector<16xi32>,
        %add3A_44 = arith.addi %add3A_37, %get3A_43 : vector<16xi32>
        %scan3A_45 = arith.constant 4 : i32
        %scan3A_46 = arith.addi %scan3A_18, %scan3A_45 : i32
        %mul3A_47 = arith.constant 16 : i32
        %mul3A_48 = arith.muli %scan3A_46, %mul3A_47 : i32
        %get3A_49 = arith.index_cast %mul3A_48 : i32 to index
        %get3A_50 = tpu.vector_load %arg5[%get3A_49] {strides = array<i32>} : memref<4096xi32, #tpu.memory_space<vmem>>, vector<16xi32>,
        %add3A_51 = arith.addi %add3A_44, %get3A_50 : vector<16xi32>
        %scan3A_52 = arith.constant 5 : i32
        %scan3A_53 = arith.addi %scan3A_18, %scan3A_52 : i32
        %mul3A_54 = arith.constant 16 : i32
        %mul3A_55 = arith.muli %scan3A_53, %mul3A_54 : i32
        %get3A_56 = arith.index_cast %mul3A_55 : i32 to index
        %get3A_57 = tpu.vector_load %arg5[%get3A_56] {strides = array<i32>} : memref<4096xi32, #tpu.memory_space<vmem>>, vector<16xi32>,
        %add3A_58 = arith.addi %add3A_51, %get3A_57 : vector<16xi32>
        %scan3A_59 = arith.constant 6 : i32
        %scan3A_60 = arith.addi %scan3A_18, %scan3A_59 : i32
        %mul3A_61 = arith.constant 16 : i32
        %mul3A_62 = arith.muli %scan3A_60, %mul3A_61 : i32
        %get3A_63 = arith.index_cast %mul3A_62 : i32 to index
        %get3A_64 = tpu.vector_load %arg5[%get3A_63] {strides = array<i32>} : memref<4096xi32, #tpu.memory_space<vmem>>, vector<16xi32>,
        %add3A_65 = arith.addi %add3A_58, %get3A_64 : vector<16xi32>
        %scan3A_66 = arith.constant 7 : i32
        %scan3A_67 = arith.addi %scan3A_18, %scan3A_66 : i32
        %mul3A_68 = arith.constant 16 : i32
        %mul3A_69 = arith.muli %scan3A_67, %mul3A_68 : i32
        %get3A_70 = arith.index_cast %mul3A_69 : i32 to index
        %get3A_71 = tpu.vector_load %arg5[%get3A_70] {strides = array<i32>} : memref<4096xi32, #tpu.memory_space<vmem>>, vector<16xi32>,
        %add3A_72 = arith.addi %add3A_65, %get3A_71 : vector<16xi32>
        scf.yield %add3A_72 : vector<16xi32>
      }
      %scan3A_10 = arith.constant 256 : i32
      %broadcast_in_dim3A_11 = arith.constant true
      %broadcast_in_dim3A_12 = vector.broadcast %broadcast_in_dim3A_11 : i1 to vector<16xi1>
      %masked_cumsum3A = tpu.scan <sum>, %scan3A_9 masked %broadcast_in_dim3A_12 : vector<16xi32>, vector<16xi1> -> vector<16xi32>
      %slice3A = vector.extract_strided_slice %masked_cumsum3A {offsets = [15], sizes = [1], strides = [1]} : vector<16xi32> to vector<1xi32>
      %squeeze3A = vector.extract %slice3A[0] : i32 from vector<1xi32>
      %gt3A = arith.constant 0 : i32
      %gt3A_13 = arith.cmpi sgt, %squeeze3A, %gt3A : i32
      %sub3A = arith.constant 1 : i32
      %sub3A_14 = arith.subi %squeeze3A, %sub3A : i32
      %jit3A = arith.constant 4095 : i32
      %select_n3A = arith.select %gt3A_13, %sub3A_14, %jit3A : i32
      %mul3A_15 = arith.constant 4096 : i32
      %mul3A_16 = arith.muli %add3A, %mul3A_15 : i32
      %add3A_17 = arith.addi %mul3A_16, %select_n3A : i32
      "tpu.region"() ({
        %run_scoped3A = tpu.sem_alloc : memref<!tpu.dma_semaphore, #tpu.memory_space<semaphore_mem>>
        %dma_start3A = arith.constant 0 : i32
        %dma_start3A_18 = tpu.memref_slice %arg3[%add3A_17, %dma_start3A] : memref<65536x1024xf32, #tpu.memory_space<hbm>> -> memref<1x1024xf32, #tpu.memory_space<hbm>>
        %dma_start3A_19 = arith.constant 0 : i32
        %dma_start3A_20 = tpu.memref_slice %arg3[%add3A_17, %dma_start3A_19] : memref<65536x1024xf32, #tpu.memory_space<hbm>> -> memref<1x1024xf32, #tpu.memory_space<hbm>>
        tpu.enqueue_dma source(%dma_start3A_20 : memref<1x1024xf32, #tpu.memory_space<hbm>>) target(%arg6 : memref<1x1024xf32, #tpu.memory_space<vmem>>) target_semaphore(%run_scoped3A : memref<!tpu.dma_semaphore, #tpu.memory_space<semaphore_mem>>)
        %dma_wait3A = arith.constant 0 : i32
        %dma_wait3A_21 = tpu.memref_slice %arg3[%add3A_17, %dma_wait3A] : memref<65536x1024xf32, #tpu.memory_space<hbm>> -> memref<1x1024xf32, #tpu.memory_space<hbm>>
        %dma_wait3A_22 = arith.constant 0 : i32
        %dma_wait3A_23 = tpu.memref_slice %arg3[%add3A_17, %dma_wait3A_22] : memref<65536x1024xf32, #tpu.memory_space<hbm>> -> memref<1x1024xf32, #tpu.memory_space<hbm>>
        tpu.wait_dma2 semaphore(%run_scoped3A : memref<!tpu.dma_semaphore, #tpu.memory_space<semaphore_mem>>) src(%dma_wait3A_23 : memref<1x1024xf32, #tpu.memory_space<hbm>>) dst(%arg6 : memref<1x1024xf32, #tpu.memory_space<vmem>>)
        tpu.yield
      }) : () -> ()
      "tpu.region"() ({
        %run_scoped3A = tpu.sem_alloc : memref<!tpu.dma_semaphore, #tpu.memory_space<semaphore_mem>>
        %dma_start3A = arith.constant 0 : i32
        %dma_start3A_18 = tpu.memref_slice %arg4[%add3A, %dma_start3A] : memref<16x1024xf32, #tpu.memory_space<hbm>> -> memref<1x1024xf32, #tpu.memory_space<hbm>>
        %dma_start3A_19 = arith.constant 0 : i32
        %dma_start3A_20 = tpu.memref_slice %arg4[%add3A, %dma_start3A_19] : memref<16x1024xf32, #tpu.memory_space<hbm>> -> memref<1x1024xf32, #tpu.memory_space<hbm>>
        tpu.enqueue_dma source(%arg6 : memref<1x1024xf32, #tpu.memory_space<vmem>>) target(%dma_start3A_20 : memref<1x1024xf32, #tpu.memory_space<hbm>>) target_semaphore(%run_scoped3A : memref<!tpu.dma_semaphore, #tpu.memory_space<semaphore_mem>>)
        %dma_wait3A = arith.constant 0 : i32
        %dma_wait3A_21 = tpu.memref_slice %arg4[%add3A, %dma_wait3A] : memref<16x1024xf32, #tpu.memory_space<hbm>> -> memref<1x1024xf32, #tpu.memory_space<hbm>>
        %dma_wait3A_22 = arith.constant 0 : i32
        %dma_wait3A_23 = tpu.memref_slice %arg4[%add3A, %dma_wait3A_22] : memref<16x1024xf32, #tpu.memory_space<hbm>> -> memref<1x1024xf32, #tpu.memory_space<hbm>>
        tpu.wait_dma2 semaphore(%run_scoped3A : memref<!tpu.dma_semaphore, #tpu.memory_space<semaphore_mem>>) src(%arg6 : memref<1x1024xf32, #tpu.memory_space<vmem>>) dst(%dma_wait3A_23 : memref<1x1024xf32, #tpu.memory_space<hbm>>)
        tpu.yield
      }) : () -> ()
    } else {
    }
    return
  }
}

</mosaic_0001>

<sc_bundles>
// kernel: _last_timestamp.3.cloned.1.call-start
scs
__scs_entry_jumppad:
0x0: {  	(pc) =	sbr.rel $0x88, $3  }
0x1: {  	(tag) =	ssettag $0x0;
	lr =	simm.s32 $0x1  }
0x2: {  	[smem:$0x3F9F] =	sst lr;
	_ =	strace $0xD0000000  }
0x3: {  	_ = 	snop  }
0x4: {  	_ = 	snop  }
0x5: {  	_ = 	snop  }
0x6: {  	_ = 	snop  }
0x7: {  	_ = 	snop  }
__scs_overlays_trampoline_lowered:
0x8: {  	[smem:$0x3FAE] =	sst s0  }
0x9: {  	[smem:$0x3FAF] =	sst s1  }
0xa: {  	[smem:$0x3FB0] =	sst s2  }
0xb: {  	[smem:$0x3FB1] =	sst s3  }
0xc: {  	[smem:$0x3FB2] =	sst s4  }
0xd: {  	[smem:$0x3FB3] =	sst s5  }
0xe: {  	[smem:$0x3FB4] =	sst s6  }
0xf: {  	[smem:$0x3FB5] =	sst s7  }
0x10: {  	[smem:$0x3FB6] =	sst s8  }
0x11: {  	[smem:$0x3FB7] =	sst s9;
	s0 =	simm.s32 @!p0 $0x0  }
0x12: {  	s1 =	sld [smem:$0x3F9D];
	s0 =	simm.s32 @p0 $0x1  }
0x13: {  	[smem:$0x3FB8] =	sst s0;
	s0 =	simm.s32 @!p1 $0x0  }
0x14: {  	s2 =	sld [smem:$0x3F9C];
	s0 =	simm.s32 @p1 $0x1  }
0x15: {  	[smem:$0x3FB9] =	sst s0;
	s0 =	simm.s32 @!p2 $0x0  }
0x16: {  	s3 =	sld [smem:$0x3FDB];
	s0 =	simm.s32 @p2 $0x1  }
0x17: {  	s4 =	simm.s32 $0x1BF5;
	[smem:$0x3FBB] =	sst s0  }
0x18: {  	s0 =	sld [smem:$0x3F9E];
	_ =	swait.ge [sflag:s4], $0x0  }
0x19: {  	s7 =	sld [smem:$0x3F9F]  }
0x1a: {  	s8 =	sadd.s32 $0xFFFFE003, lr  }
0x1b: {  	s9 =	sadd.s32 $0xFFFFFEF7, lr;
	s5 =	simm.s32 $0xFFFFFFFF;
	p2 =	slt.u32 s8, $0xFFFFF086  }
0x1c: {  	p1 =	slt.u32 s9, $0xF7A;
	s5 =	simm.s32 @!p2 $0x0  }
0x1d: {  	s5 =	simm.s32 @p1 $0x1;
	p0 =	seq.s32 s7, s2  }
0x1e: {  	s7 =	smul.u32 @!p0 $0xF7A, s2;
	p2 =	seq.s32 @!p0 s5, $0x0  }
0x1f: {  	s9 =	smul.u32 $0xF7A, s1;
	s8 =	simm.s32 @!p0 $0x1BF5;
	p2 =	por !p2, p0  }
0x20: {  	[sflag:s8] =	ssyncset.s32 @!p0 $0xFFFFF086;
	s6 =	sadd.s32 @!p0 s3, s7;
	s7 =	simm.s32 @!p0 $0x108  }
0x21: {  	s3 =	sadd.s32 s3, s9;
	s6 =	sadd.s32 @!p0 $0x88, s6;
	s7 =	simm.s32 @p2 $0x1082  }
0x22: {  	[simem:s7], [sflag:s8] =	dma.local @!p0 [hbm:s6], $0xF7A  }
0x23: {  	s9 =	sor.u32 $0xD0000000, s2;
	s6 =	simm.s32 $0x108;
	_ =	swait.ge @!p0 [sflag:s8], $0x0  }
0x24: {  	s3 =	sadd.s32 $0x88, s3;
	s6 =	simm.s32 @!p1 $0x1082;
	[sflag:s4] =	ssyncset.s32 $0xFFFFF086  }
0x25: {  	[simem:s6], [sflag:s4] =	dma.local [hbm:s3], $0xF7A  }
0x26: {  	[smem:$0x3F9F] =	sst s1;
	(tag) =	ssettag s2;
	_ =	strace s9  }
0x27: {  	s1 =	sld [smem:$0x3FAF]  }
0x28: {  	s2 =	sld [smem:$0x3FB0]  }
0x29: {  	s4 =	sld [smem:$0x3FB2]  }
0x2a: {  	p0 =	seq.s32 s5, $0x0;
	s5 =	sld [smem:$0x3FB3]  }
0x2b: {  	s6 =	sld [smem:$0x3FB4]  }
0x2c: {  	s7 =	sld [smem:$0x3FB5]  }
0x2d: {  	s3 =	simm.s32 $0x108;
	s8 =	sld [smem:$0x3FB6]  }
0x2e: {  	s3 =	simm.s32 @!p0 $0x1082;
	s9 =	sld [smem:$0x3FB7]  }
0x2f: {  	lr =	sadd.s32 s0, s3;
	s0 =	sld [smem:$0x3FAE]  }
0x30: {  	s3 =	sld [smem:$0x3FB1]  }
0x31: {  	[smem:$0x3FBA] =	sst s10  }
0x32: {  	s10 =	sld [smem:$0x3FB8];
	_ =	sdelay $0x3  }
0x33: {  	p0 =	seq.s32 s10, $0x1;
	s10 =	sld [smem:$0x3FBA];
	_ =	sdelay $0x3  }
0x34: {  	[smem:$0x3FBA] =	sst s10  }
0x35: {  	s10 =	sld [smem:$0x3FB9];
	_ =	sdelay $0x3  }
0x36: {  	p1 =	seq.s32 s10, $0x1;
	s10 =	sld [smem:$0x3FBA];
	_ =	sdelay $0x3  }
0x37: {  	[smem:$0x3FBA] =	sst s10  }
0x38: {  	s10 =	sld [smem:$0x3FBB]  }
0x39: {  	_ = 	snop;
	(pc) =	sbr.ind lr, $3  }
0x3a: {  	_ = 	snop  }
0x3b: {  	_ = 	snop  }
0x3c: {  	p2 =	seq.s32 s10, $0x1;
	s10 =	sld [smem:$0x3FBA]  }
0x3d: {  	_ =	shalt  }
0x3e: {  	_ =	shalt  }
0x3f: {  	_ =	shalt  }
0x40: {  	_ =	shalt  }
0x41: {  	_ =	shalt  }
0x42: {  	_ =	shalt  }
0x43: {  	_ =	shalt  }
0x44: {  	_ =	shalt  }
0x45: {  	_ =	shalt  }
0x46: {  	_ =	shalt  }
0x47: {  	_ =	shalt  }
0x48: {  	_ =	shalt  }
0x49: {  	_ =	shalt  }
0x4a: {  	_ =	shalt  }
0x4b: {  	_ =	shalt  }
0x4c: {  	_ =	shalt  }
0x4d: {  	_ =	shalt  }
0x4e: {  	_ =	shalt  }
0x4f: {  	_ =	shalt  }
0x50: {  	_ =	shalt  }
0x51: {  	_ =	shalt  }
0x52: {  	_ =	shalt  }
0x53: {  	_ =	shalt  }
0x54: {  	_ =	shalt  }
0x55: {  	_ =	shalt  }
0x56: {  	_ =	shalt  }
0x57: {  	_ =	shalt  }
0x58: {  	_ =	shalt  }
0x59: {  	_ =	shalt  }
0x5a: {  	_ =	shalt  }
0x5b: {  	_ =	shalt  }
0x5c: {  	_ =	shalt  }
0x5d: {  	_ =	shalt  }
0x5e: {  	_ =	shalt  }
0x5f: {  	_ =	shalt  }
0x60: {  	_ =	shalt  }
0x61: {  	_ =	shalt  }
0x62: {  	_ =	shalt  }
0x63: {  	_ =	shalt  }
0x64: {  	_ =	shalt  }
0x65: {  	_ =	shalt  }
0x66: {  	_ =	shalt  }
0x67: {  	_ =	shalt  }
0x68: {  	_ =	shalt  }
0x69: {  	_ =	shalt  }
0x6a: {  	_ =	shalt  }
0x6b: {  	_ =	shalt  }
0x6c: {  	_ =	shalt  }
0x6d: {  	_ =	shalt  }
0x6e: {  	_ =	shalt  }
0x6f: {  	_ =	shalt  }
0x70: {  	_ =	shalt  }
0x71: {  	_ =	shalt  }
0x72: {  	_ =	shalt  }
0x73: {  	_ =	shalt  }
0x74: {  	_ =	shalt  }
0x75: {  	_ =	shalt  }
0x76: {  	_ =	shalt  }
0x77: {  	_ =	shalt  }
0x78: {  	_ =	shalt  }
0x79: {  	_ =	shalt  }
0x7a: {  	_ =	shalt  }
0x7b: {  	_ =	shalt  }
0x7c: {  	_ =	shalt  }
0x7d: {  	_ =	shalt  }
0x7e: {  	_ =	shalt  }
0x7f: {  	_ =	shalt  }
0x80: {  	_ =	shalt  }
0x81: {  	_ =	shalt  }
0x82: {  	_ =	shalt  }
0x83: {  	_ =	shalt  }
0x84: {  	_ =	shalt  }
0x85: {  	_ =	shalt  }
0x86: {  	_ =	shalt  }
0x87: {  	_ =	shalt  }
.Lfunc_end0:
.L_simem_size_0:
called_computation_lowered:
.L_overlay_start_0:
0x88: {  	s2 =	sld [smem:$0x3FD9]  }
0x89: {  	s3 =	sld [smem:$0x3FFE];
	_ =	sdelay $0x1  }
0x8a: {  	s1 =	srdreg.scid  }
0x8b: {  	s0 =	sand.u32 $0x1, s1  }
0x8c: {  	s18 =	sshll.u32 s0, $0xA;
	s2 =	sadd.s32 s3, s2  }
0x8d: {  	s2 =	sadd.s32 s2, s18  }
0x8e: {  	[smem:$0x3FC6] =	sst s2  }
0x8f: {  	_ = 	snop  }
0x90: {  	s2 =	sld [smem:$0x3FC9]  }
0x91: {  	s19 =	sld [smem:$0x3FC8]  }
0x92: {  	s4 =	sld [smem:$0x3FD0];
	(tm) =	ssettm $0x1  }
0x93: {  	s5 =	sld [smem:$0x3FFB];
	_ =	sdelay $0x3  }
0x94: {  	_ =	strace s5  }
0x95: {  	s5 =	sld [smem:$0x3FFC];
	_ =	sdelay $0x3  }
0x96: {  	_ =	strace s5  }
0x97: {  	s5 =	sld [smem:$0x3FFD];
	_ =	sdelay $0x3  }
0x98: {  	_ =	strace s5  }
0x99: {  	_ =	strace $0x8FFFFFFF  }
0x9a: {  	s20 =	sld [smem:$0x3FDB];
	_ =	sdelay $0x1  }
0x9b: {  	s6 =	simm.s32 $_scs_section_size  }
0x9c: {  	s7 =	simm.s32 $_size__tile_overlayer_lowered;
	s8 =	simm.s32 $_tile_overlayer_lowered  }
0x9d: {  	s23 =	simm.s32 $0x1BFF;
	s22 =	sshll.u32 s8, $0x1;
	s5 =	sadd.s32 s6, s20  }
0x9e: {  	s9 =	simm.s32 $0x0;
	s21 =	sshll.u32 s7, $0x1;
	s7 =	sadd.s32 s22, s5  }
0x9f: {  	[timem:s9], [sflag:s23] =	dma.local [hbm:s7], s21  }
0xa0: {  	_ =	swait.ge [sflag:s23], s21  }
0xa1: {  	s6 =	ssub.s32 $0x0, s21;
	[sflag:s23] =	ssyncset.done $0x0  }
0xa2: {  	[sflag:s23] =	ssyncadd.s32 s6;
	_ =	sdelay $0x1  }
0xa3: {  	s24 =	simm.s32 $0x1B8B  }
0xa4: {  	_ =	swait.ge [sflag:s24], $0x1  }
0xa5: {  	[sflag:s24] =	ssyncset.done $0x0  }
0xa6: {  	s25 =	simm.s32 $0x1B8E;
	[sflag:s24] =	ssyncadd.s32 $0xFFFFFFFF  }
0xa7: {  	s26 =	simm.s32 $execute0_lowered;
	[smem:$0x3FD2] =	sst s25  }
0xa8: {  	s6 =	sshll.u32 s26, $0x1;
	_ =	strace $0x80000046;
	[dreg:$0x1] =	wrdreg $0xFFFFFFFF  }
0xa9: {  	s28 =	simm.s32 $_size_execute0_lowered;
	s5 =	sadd.s32 s5, s6;
	[dreg:$0x0] =	wrdreg $0x0  }
0xaa: {  	s6 =	sshll.u32 s28, $0x1;
	[dreg:$0x2] =	wrdreg s5  }
0xab: {  	[dreg:$0x3] =	wrdreg s6  }
0xac: {  	[dreg:$0x4] =	wrdreg $0xC0  }
0xad: {  	_ =	task [dreg:s9], $0x5FFFF  }
0xae: {  	[dreg:$0x1] =	wrdreg $0xFFFFFFFF  }
0xaf: {  	[dreg:$0x0] =	wrdreg $0x60  }
0xb0: {  	[dreg:$0x2] =	wrdreg s19  }
0xb1: {  	[dreg:$0x3] =	wrdreg s2  }
0xb2: {  	[dreg:$0x4] =	wrdreg s4  }
0xb3: {  	[dreg:$0x5] =	wrdreg $0x9  }
0xb4: {  	_ =	task.clear_ibuf [dreg:s9], $0x6FFFF;
	_ =	strace $0x90000046  }
0xb5: {  	s29 =	simm.s32 $0x9;
	_ =	strace $0x80000048  }
0xb6: {  	_ =	swait.ge [sflag:s29], $0x1  }
0xb7: {  	[sflag:s29] =	ssyncadd.s32 $0xFFFFFFFF  }
0xb8: {  	_ =	strace $0x90000048  }
0xb9: {  	_ =	sfence  }
0xba: {  	s30 =	sld [smem:$0x0];
	_ =	sdelay $0x2  }
0xbb: {  	s31 =	sshll.u32 s1, $0xD;
	s1 =	sshrl.u32 s1, $0x2  }
0xbc: {  	s3 =	sand.u32 $0x4000, s31;
	s1 =	sadd.s32 s1, s30  }
0xbd: {  	s0 =	sor.u32 s3, s0;
	s1 =	sshll.u32 s1, $0x11  }
0xbe: {  	s0 =	sor.u32 s1, s0  }
0xbf: {  	s0 =	sadd.s32 $0x8F2B, s0  }
0xc0: {  	[sflag:s0] =	ssyncadd.remote.s32 $0x1  }
0xc1: {  	_ =	sfence.sel $0xFFFF  }
0xc2: {  	[dreg:$0x0] =	wrdreg $0xFFFFFFFF;
	(pc) =	sbr.abs _section_cstart, $3  }
0xc3: {  	[dreg:$0x1] =	wrdreg $0xFFFFFFFF  }
0xc4: {  	_ =	task.clear_ibuf [dreg:s9], $0x2FFFF;
	_ =	strace $0x9FFFFFFF  }
0xc5: {  	(tm) =	ssettm $0x7FFFFFFF  }
tec
execute0_lowered:
.L_overlay_start_1:
0x0: {  	(tag) =	ssettag $0x1  }
0x1: {  	s1 =	stileid.u32  }
0x2: {  	p0 =	sgt.u32 s1, $0x7  }
.Ltmp0:
0x3: {  	s6 =	rddreg [dreg:$0x0];
	(pc) =	sbr.rel @p0 .LBB2_5-.Ltmp0, $4  }
0x4: {  	s2 =	rddreg [dreg:$0x1]  }
0x5: {  	s5 =	rddreg [dreg:$0x2];
	s3 =	simm.s32 $0x0  }
0x6: {  	[smem:$0x7FF] =	sst s3  }
0x7: {  	s0 =	rddreg [dreg:$0x3];
	_ =	strace $0x80000047  }
0x8: {  	s4 =	srdreg.scid  }
0x9: {  	s30 =	sshll.u32 s1, $0x1;
	s9 =	sshll.u32 s1, $0x8;
	s11 =	simm.s32 $0x1000  }
0xa: {  	s12 =	simm.s32 $0x0;
	s7 =	sand.u32 $0x1, s4;
	s9 =	sand.u32 $0x400, s9  }
0xb: {  	s8 =	sor.u32 s7, s30;
	s7 =	ssub.s32 $0x2, s7;
	s5 =	sadd.s32 s5, s9  }
0xc: {  	s9 =	simm.s32 $0x80;
	s4 =	sshll.u32 s8, $0x16;
	s10 =	sshll.u32 s8, $0x4  }
0xd: {  	s31 =	sshrl.u32 s7, $0x1;
	s8 =	sshll.u32 s8, $0x9;
	s10 =	sand.u32 $0x70, s10  }
0xe: {  	s7 =	ssub.s32 s7, s31;
	s6 =	sadd.s32 s6, s8;
	s8 =	simm.s32 $0x1  }
0xf: {  	s5 =	sadd.s32 s10, s5;
	s7 =	smax.u32 s7, $0x1;
	s10 =	simm.s32 $0x400  }
.LBB2_2:
0x10: {  	[tilespmem:s3], [sflag:$0x1] =	stream.linear.gather [hbm4b:s6+s3], $0x1000, $0x38;
	[tilespmem:$0x1400] =	vst v63  }
0x11: {  	_ =	swait.ge [sflag:s8], $0x1000  }
0x12: {  	[sflag:s8] =	ssyncset.done $0x0  }
0x13: {  	s14 =	simm.s32 $0x40;
	[sflag:s8] =	ssyncadd.s32 $0xFFFFF000  }
0x14: {  	v2 =	vld [tilespmem:s14+$0xFFFFFFC0]  }
0x15: {  	v3 =	vld [tilespmem:s14+$0xFFFFFFD0]  }
0x16: {  	v4 =	vld [tilespmem:s14+$0xFFFFFFE0]  }
0x17: {  	v0 =	vld [tilespmem:s14+$0xFFFFFFF0]  }
0x18: {  	v5 =	vimm.s32 $0x0;
	v1 =	vld [tilespmem:s14+$0x0]  }
0x19: {  	v5 =	vadd.s32 v5, v2;
	v2 =	vld [tilespmem:s14+$0x10]  }
0x1a: {  	v5 =	vadd.s32 v3, v5;
	v3 =	vld [tilespmem:s14+$0x20]  }
0x1b: {  	s13 =	simm.s32 $0x0;
	v5 =	vadd.s32 v4, v5;
	v4 =	vld [tilespmem:s14+$0x30];
	s14 =	simm.s32 $0xC0  }
.LBB2_3:
0x1c: {  	v6 =	vld [tilespmem:s14+$0xFFFFFFC0];
	s13 =	sadd.s32 $0x8, s13;
	v0 =	vadd.s32 v0, v5  }
0x1d: {  	v5 =	vld [tilespmem:s14+$0xFFFFFFD0];
	p0 =	slt.u32 s13, $0xF8;
	v0 =	vadd.s32 v1, v0  }
0x1e: {  	v7 =	vld [tilespmem:s14+$0xFFFFFFE0];
	v1 =	vadd.s32 v2, v0  }
.Ltmp1:
0x1f: {  	v0 =	vld [tilespmem:s14+$0xFFFFFFF0];
	v2 =	vadd.s32 v3, v1;
	(pc) =	sbr.rel @p0 .LBB2_3-.Ltmp1, $4  }
0x20: {  	v1 =	vld [tilespmem:s14+$0x0];
	v2 =	vadd.s32 v4, v2  }
0x21: {  	v3 =	vadd.s32 v2, v6;
	v2 =	vld [tilespmem:s14+$0x10]  }
0x22: {  	v4 =	vadd.s32 v5, v3;
	v3 =	vld [tilespmem:s14+$0x20]  }
0x23: {  	v5 =	vadd.s32 v7, v4;
	v4 =	vld [tilespmem:s14+$0x30];
	s14 =	sadd.s32 $0x80, s14  }
0x24: {  	v0 =	vadd.s32 v0, v5  }
0x25: {  	v0 =	vadd.s32 v1, v0  }
0x26: {  	v0 =	vadd.s32 v2, v0  }
0x27: {  	v0 =	vadd.s32 v3, v0  }
0x28: {  	v0 =	vadd.s32 v4, v0  }
0x29: {  	(xrf0) =	vadd.scan.msk.s32 $0xffff, v0;
	_ =	sdelay $0x5  }
0x2a: {  	v0, _, _ =	vpop (xrf0)  }
0x2b: {  	(v2sf) =	vpush v0, $0xF;
	_ =	sdelay $0xe  }
0x2c: {  	s13 =	spop (v2sf)  }
0x2d: {  	p0 =	sgt.s32 s13, $0x0;
	s13 =	sadd.s32 $0xFFFFFFFF, s13  }
0x2e: {  	s13 =	simm.s32 @!p0 $0xFFF  }
0x2f: {  	s14 =	sshll.u32 s13, $0xA  }
0x30: {  	s13 =	sshll.u32 s13, $0x7;
	s14 =	sadd.s32 s4, s14  }
0x31: {  	s13 =	sand.u32 $0x380, s13;
	s14 =	sand.u32 $0xFFFFE000, s14  }
0x32: {  	s13 =	sor.u32 s13, s14  }
0x33: {  	s13 =	sshrl.u32 s13, $0x3  }
0x34: {  	s13 =	sadd.s32 s2, s13  }
0x35: {  	[tilespmem:s11], [sflag:$0x1] =	stream.strided.gather [hbm4b:s13+s9], $0x400, s10, s9, $0x38;
	[tilespmem:$0x1400] =	vst v63  }
0x36: {  	s12 =	sadd.s32 $0x1, s12;
	_ =	swait.ge [sflag:s8], $0x400  }
0x37: {  	p0 =	sne.s32 s12, s7;
	[sflag:s8] =	ssyncset.done $0x0  }
.Ltmp2:
0x38: {  	[sflag:s8] =	ssyncadd.s32 $0xFFFFFC00;
	(pc) =	sbr.rel @p0 .LBB2_2-.Ltmp2, $4  }
0x39: {  	[hbm4b:s5+s9] =	stream.strided.scatter [tilespmem:s11], [sflag:$0x1], $0x400, s10, s9, $0x38;
	[tilespmem:$0x1400] =	vst v63  }
0x3a: {  	_ =	swait.ge [sflag:s8], $0x400  }
0x3b: {  	[sflag:s8] =	ssyncset.done $0x0  }
0x3c: {  	[sflag:s8] =	ssyncadd.s32 $0xFFFFFC00  }
.LBB2_5:
0x3d: {  	_ =	sfence.sel $0x180000  }
0x3e: {  	[bflag:$0x0] =	sbarrier.arrive $0xFFFF  }
0x3f: {  	p0 =	sne.s32 s1, $0x0;
	_ =	strace $0x90000047  }
0x40: {  	s0 =	sadd.s32 @!p0 $0x100000, s0;
	[bflag:$0x2] =	sbarrier.arrive $0xFFFF  }
0x41: {  	[sflag:s0] =	ssyncadd.tile.s32 @!p0 $0x1;
	_ =	shalt  }
.Lfunc_end2:
_tile_overlayer_lowered:
.L_overlay_start_2:
0x42: {  	(tag) =	ssettag $0x2  }
0x43: {  	s0 =	rddreg [dreg:$0x0];
	s2 =	stileid.u32  }
0x44: {  	s1 =	rddreg [dreg:$0x1];
	p0 =	sne.s32 s2, $0x0  }
0x45: {  	s3 =	rddreg [dreg:$0x2];
	[bflag:$0x3] =	sbarrier.arrive $0xFFFF;
	s2 =	simm.s32 @!p0 $0x1C01  }
0x46: {  	[timem:s3], [sflag:s2] =	dma.local @!p0 [hbm:s0], s1  }
0x47: {  	s0 =	simm.s32 @!p0 $0x1  }
0x48: {  	_ =	swait.ge @!p0 [sflag:s0], s1  }
0x49: {  	s1 =	ssub.s32 @!p0 $0x0, s1;
	[sflag:s0] =	ssyncset.done @!p0 $0x0  }
0x4a: {  	[sflag:s0] =	ssyncadd.s32 @!p0 s1  }
0x4b: {  	[bflag:$0x3] =	sbarrier.arrive $0xFFFF  }
0x4c: {  	_ =	shalt  }

</sc_bundles>
